<compile_context>
chip_gen: v7x
topology: tpu7x:2x2x1
jax: 0.10.2.dev20260603
libtpu: 0.0.44.dev20260713+nightly
codegen_flags: <defaults>
</compile_context>

<pallas_src>
import functools

import jax
import jax.numpy as jnp
from jax import lax
from jax.experimental import pallas as pl
from jax.experimental.pallas import tpu as pltpu
from jax.experimental.pallas import tpu_sc as plsc

L = 16
NITER = 30


def _sparsegen_rows(x_hbm, out_hbm, x_v, c_v, rows_per_w, n):
    nchunk = n // L
    info = plsc.get_sparse_core_info()
    nc = info.num_cores
    wid = lax.axis_index("s") * nc + lax.axis_index("c")
    base = wid * rows_per_w

    for r in range(rows_per_w):
        pltpu.sync_copy(x_hbm.at[base + r], x_v.at[pl.ds(r * n, n)])

    for r in range(rows_per_w):
        off = r * n

        def mx_body(i, mv):
            v = x_v[pl.ds(off + i * L, L)]
            return jnp.maximum(mv, v)

        mv = lax.fori_loop(1, nchunk, mx_body, x_v[pl.ds(off, L)])
        m = jnp.max(mv)
        lo0 = m - 1.0

        def cp_body(i, nk):
            v = x_v[pl.ds(off + i * L, L)]
            c_v[pl.ds(nk * L, L)] = v
            keep = jnp.any(v > lo0)
            return nk + keep.astype(jnp.int32)

        nk = lax.fori_loop(0, nchunk, cp_body, jnp.int32(0))

        def bi_body(_, carry):
            lo, hi = carry
            mid = 0.5 * (lo + hi)

            def s_body(i, acc):
                v = c_v[pl.ds(i * L, L)]
                return acc + jnp.maximum(v - mid, 0.0)

            acc = lax.fori_loop(0, nk, s_body, jnp.zeros((L,), jnp.float32))
            s = jnp.sum(acc)
            gt = s > 1.0
            return jnp.where(gt, mid, lo), jnp.where(gt, hi, mid)

        lo, hi = lax.fori_loop(0, NITER, bi_body, (lo0, m))
        tau = 0.5 * (lo + hi)

        def o_body(i, carry):
            v = x_v[pl.ds(off + i * L, L)]
            x_v[pl.ds(off + i * L, L)] = jnp.maximum(v - tau, 0.0)
            return carry

        lax.fori_loop(0, nchunk, o_body, jnp.int32(0))

    for r in range(rows_per_w):
        pltpu.sync_copy(x_v.at[pl.ds(r * n, n)], out_hbm.at[base + r])


def kernel(input):
    orig_shape = input.shape
    x = input.reshape(-1, input.shape[-1])
    rows, n = x.shape

    info = plsc.get_sparse_core_info()
    nw = info.num_cores * info.num_subcores
    rows_per_w = rows // nw
    assert rows_per_w * nw == rows and n % L == 0

    mesh = plsc.VectorSubcoreMesh(core_axis_name="c", subcore_axis_name="s")
    body = functools.partial(_sparsegen_rows, rows_per_w=rows_per_w, n=n)
    f = functools.partial(
        pl.kernel,
        mesh=mesh,
        out_type=jax.ShapeDtypeStruct((rows, n), jnp.float32),
        scratch_types=[
            pltpu.VMEM((rows_per_w * n,), jnp.float32),
            pltpu.VMEM((n,), jnp.float32),
        ],
        compiler_params=pltpu.CompilerParams(needs_layout_passes=False),
    )(body)
    out = f(x)
    return out.reshape(orig_shape)

# --- scband reference (transcript-rebuilt; emitter-appended) ---
"""Pipeline reference for scband-sparsegen-29618094473533 (READ-ONLY COPY).

The authoritative reference and input builder live on the scoring server;
editing this copy changes nothing except your own understanding.
"""

import jax, jax.numpy as jnp
import numpy as np

SIGMA = 0.0

def setup_inputs(seed: int = 0) -> dict:
    key = jax.random.key(seed)
    x = jax.random.normal(key, (64, 8192), dtype=jnp.float32)
    return {"input": x}

def reference(input):
    original_shape = input.shape
    x = input.reshape(-1, input.shape[-1])
    n = x.shape[1]
    x = x - jnp.max(x, axis=1, keepdims=True)
    # descending sort
    zs = -jnp.sort(-x, axis=1)
    trange = jnp.arange(1, n + 1, dtype=x.dtype).reshape(1, -1)
    trange = jnp.broadcast_to(trange, zs.shape)
    bound = 1.0 - SIGMA + trange * zs
    cumulative_sum_zs = jnp.cumsum(zs, axis=1)
    is_gt = (bound > cumulative_sum_zs).astype(x.dtype)
    k = jnp.max(is_gt * trange, axis=1, keepdims=True)
    zs_sparse = is_gt * zs
    taus = (jnp.sum(zs_sparse, axis=1, keepdims=True) - 1.0 + SIGMA) / k
    out = jnp.maximum(jnp.zeros_like(x), (x - taus) / (1.0 - SIGMA))
    return out.reshape(original_shape)

if __name__ == "__main__":
    import jax
    _d = setup_inputs()
    print(jax.jit(kernel)(*tuple(_d.values())))

</pallas_src>

<mosaic_0001>
#map = affine_map<(d0, d1) -> (0, 0)>
module attributes {stable_mosaic.version = 14 : i64} {
  func.func @_sparsegen_rows(%arg0: i32, %arg1: i32, %arg2: memref<64x8192xf32, #tpu.memory_space<hbm>>, %arg3: memref<64x8192xf32, #tpu.memory_space<hbm>>, %arg4: memref<16384xf32, #tpu.memory_space<vmem>>, %arg5: memref<8192xf32, #tpu.memory_space<vmem>>) attributes {dimension_semantics = [#tpu.dimension_semantics<core_parallel>, #tpu.dimension_semantics<subcore_parallel>], iteration_bounds = array<i64: 2, 16>, scalar_prefetch = 0 : i64, scratch_operands = 2 : i64, tpu.core_type = #tpu.core_type<sc_vector_subcore>, window_params = [{transform_indices = #map}, {transform_indices = #map}]} {
    %mul3A = arith.constant 2 : i32
    %mul3A_0 = arith.muli %arg1, %mul3A : i32
    %add3A = arith.addi %mul3A_0, %arg0 : i32
    %mul3A_1 = arith.constant 2 : i32
    %mul3A_2 = arith.muli %add3A, %mul3A_1 : i32
    %add3A_3 = arith.constant 0 : i32
    %add3A_4 = arith.addi %mul3A_2, %add3A_3 : i32
    "tpu.region"() ({
      %run_scoped3A = tpu.sem_alloc : memref<!tpu.dma_semaphore, #tpu.memory_space<semaphore_mem>>
      %dma_start3A = arith.constant 0 : i32
      %dma_start3A_79 = tpu.memref_slice %arg4[%dma_start3A] : memref<16384xf32, #tpu.memory_space<vmem>> -> memref<8192xf32, #tpu.memory_space<vmem>>
      %dma_start3A_80 = arith.constant 0 : i32
      %dma_start3A_81 = tpu.memref_slice %arg2[%add3A_4, %dma_start3A_80] : memref<64x8192xf32, #tpu.memory_space<hbm>> -> memref<1x8192xf32, #tpu.memory_space<hbm>>
      %dma_start3A_82 = tpu.memref_squeeze %dma_start3A_81 : memref<1x8192xf32, #tpu.memory_space<hbm>> -> memref<8192xf32, #tpu.memory_space<hbm>>
      %dma_start3A_83 = arith.constant 0 : i32
      %dma_start3A_84 = tpu.memref_slice %arg4[%dma_start3A_83] : memref<16384xf32, #tpu.memory_space<vmem>> -> memref<8192xf32, #tpu.memory_space<vmem>>
      %dma_start3A_85 = arith.constant 0 : i32
      %dma_start3A_86 = tpu.memref_slice %arg2[%add3A_4, %dma_start3A_85] : memref<64x8192xf32, #tpu.memory_space<hbm>> -> memref<1x8192xf32, #tpu.memory_space<hbm>>
      %dma_start3A_87 = tpu.memref_squeeze %dma_start3A_86 : memref<1x8192xf32, #tpu.memory_space<hbm>> -> memref<8192xf32, #tpu.memory_space<hbm>>
      tpu.enqueue_dma source(%dma_start3A_87 : memref<8192xf32, #tpu.memory_space<hbm>>) target(%dma_start3A_84 : memref<8192xf32, #tpu.memory_space<vmem>>) target_semaphore(%run_scoped3A : memref<!tpu.dma_semaphore, #tpu.memory_space<semaphore_mem>>)
      %dma_wait3A = arith.constant 0 : i32
      %dma_wait3A_88 = tpu.memref_slice %arg4[%dma_wait3A] : memref<16384xf32, #tpu.memory_space<vmem>> -> memref<8192xf32, #tpu.memory_space<vmem>>
      %dma_wait3A_89 = arith.constant 0 : i32
      %dma_wait3A_90 = tpu.memref_slice %arg2[%add3A_4, %dma_wait3A_89] : memref<64x8192xf32, #tpu.memory_space<hbm>> -> memref<1x8192xf32, #tpu.memory_space<hbm>>
      %dma_wait3A_91 = tpu.memref_squeeze %dma_wait3A_90 : memref<1x8192xf32, #tpu.memory_space<hbm>> -> memref<8192xf32, #tpu.memory_space<hbm>>
      %dma_wait3A_92 = arith.constant 0 : i32
      %dma_wait3A_93 = tpu.memref_slice %arg4[%dma_wait3A_92] : memref<16384xf32, #tpu.memory_space<vmem>> -> memref<8192xf32, #tpu.memory_space<vmem>>
      %dma_wait3A_94 = arith.constant 0 : i32
      %dma_wait3A_95 = tpu.memref_slice %arg2[%add3A_4, %dma_wait3A_94] : memref<64x8192xf32, #tpu.memory_space<hbm>> -> memref<1x8192xf32, #tpu.memory_space<hbm>>
      %dma_wait3A_96 = tpu.memref_squeeze %dma_wait3A_95 : memref<1x8192xf32, #tpu.memory_space<hbm>> -> memref<8192xf32, #tpu.memory_space<hbm>>
      tpu.wait_dma2 semaphore(%run_scoped3A : memref<!tpu.dma_semaphore, #tpu.memory_space<semaphore_mem>>) src(%dma_wait3A_96 : memref<8192xf32, #tpu.memory_space<hbm>>) dst(%dma_wait3A_93 : memref<8192xf32, #tpu.memory_space<vmem>>)
      tpu.yield
    }) : () -> ()
    %add3A_5 = arith.constant 1 : i32
    %add3A_6 = arith.addi %mul3A_2, %add3A_5 : i32
    "tpu.region"() ({
      %run_scoped3A = tpu.sem_alloc : memref<!tpu.dma_semaphore, #tpu.memory_space<semaphore_mem>>
      %dma_start3A = arith.constant 8192 : i32
      %dma_start3A_79 = tpu.memref_slice %arg4[%dma_start3A] : memref<16384xf32, #tpu.memory_space<vmem>> -> memref<8192xf32, #tpu.memory_space<vmem>>
      %dma_start3A_80 = arith.constant 0 : i32
      %dma_start3A_81 = tpu.memref_slice %arg2[%add3A_6, %dma_start3A_80] : memref<64x8192xf32, #tpu.memory_space<hbm>> -> memref<1x8192xf32, #tpu.memory_space<hbm>>
      %dma_start3A_82 = tpu.memref_squeeze %dma_start3A_81 : memref<1x8192xf32, #tpu.memory_space<hbm>> -> memref<8192xf32, #tpu.memory_space<hbm>>
      %dma_start3A_83 = arith.constant 8192 : i32
      %dma_start3A_84 = tpu.memref_slice %arg4[%dma_start3A_83] : memref<16384xf32, #tpu.memory_space<vmem>> -> memref<8192xf32, #tpu.memory_space<vmem>>
      %dma_start3A_85 = arith.constant 0 : i32
      %dma_start3A_86 = tpu.memref_slice %arg2[%add3A_6, %dma_start3A_85] : memref<64x8192xf32, #tpu.memory_space<hbm>> -> memref<1x8192xf32, #tpu.memory_space<hbm>>
      %dma_start3A_87 = tpu.memref_squeeze %dma_start3A_86 : memref<1x8192xf32, #tpu.memory_space<hbm>> -> memref<8192xf32, #tpu.memory_space<hbm>>
      tpu.enqueue_dma source(%dma_start3A_87 : memref<8192xf32, #tpu.memory_space<hbm>>) target(%dma_start3A_84 : memref<8192xf32, #tpu.memory_space<vmem>>) target_semaphore(%run_scoped3A : memref<!tpu.dma_semaphore, #tpu.memory_space<semaphore_mem>>)
      %dma_wait3A = arith.constant 8192 : i32
      %dma_wait3A_88 = tpu.memref_slice %arg4[%dma_wait3A] : memref<16384xf32, #tpu.memory_space<vmem>> -> memref<8192xf32, #tpu.memory_space<vmem>>
      %dma_wait3A_89 = arith.constant 0 : i32
      %dma_wait3A_90 = tpu.memref_slice %arg2[%add3A_6, %dma_wait3A_89] : memref<64x8192xf32, #tpu.memory_space<hbm>> -> memref<1x8192xf32, #tpu.memory_space<hbm>>
      %dma_wait3A_91 = tpu.memref_squeeze %dma_wait3A_90 : memref<1x8192xf32, #tpu.memory_space<hbm>> -> memref<8192xf32, #tpu.memory_space<hbm>>
      %dma_wait3A_92 = arith.constant 8192 : i32
      %dma_wait3A_93 = tpu.memref_slice %arg4[%dma_wait3A_92] : memref<16384xf32, #tpu.memory_space<vmem>> -> memref<8192xf32, #tpu.memory_space<vmem>>
      %dma_wait3A_94 = arith.constant 0 : i32
      %dma_wait3A_95 = tpu.memref_slice %arg2[%add3A_6, %dma_wait3A_94] : memref<64x8192xf32, #tpu.memory_space<hbm>> -> memref<1x8192xf32, #tpu.memory_space<hbm>>
      %dma_wait3A_96 = tpu.memref_squeeze %dma_wait3A_95 : memref<1x8192xf32, #tpu.memory_space<hbm>> -> memref<8192xf32, #tpu.memory_space<hbm>>
      tpu.wait_dma2 semaphore(%run_scoped3A : memref<!tpu.dma_semaphore, #tpu.memory_space<semaphore_mem>>) src(%dma_wait3A_96 : memref<8192xf32, #tpu.memory_space<hbm>>) dst(%dma_wait3A_93 : memref<8192xf32, #tpu.memory_space<vmem>>)
      tpu.yield
    }) : () -> ()
    %get3A = arith.constant 0 : index
    %get3A_7 = tpu.vector_load %arg4[%get3A] {strides = array<i32>} : memref<16384xf32, #tpu.memory_space<vmem>>, vector<16xf32>,
    %scan3A = arith.constant 1 : i32
    %scan3A_8 = arith.constant 511 : i32
    %scan3A_9 = arith.addi %scan3A, %scan3A_8 : i32
    %scan3A_10 = arith.constant 1 : i32
    %scan3A_11 = scf.for %scan3A_79 = %scan3A to %scan3A_9 step %scan3A_10 iter_args(%scan3A_80 = %get3A_7) -> (vector<16xf32>)  : i32 {
      %mul3A_81 = arith.constant 16 : i32
      %mul3A_82 = arith.muli %scan3A_79, %mul3A_81 : i32
      %add3A_83 = arith.constant 0 : i32
      %add3A_84 = arith.addi %add3A_83, %mul3A_82 : i32
      %get3A_85 = arith.index_cast %add3A_84 : i32 to index
      %get3A_86 = tpu.vector_load %arg4[%get3A_85] {strides = array<i32>} : memref<16384xf32, #tpu.memory_space<vmem>>, vector<16xf32>,
      %max3A = arith.maximumf %scan3A_80, %get3A_86 : vector<16xf32>
      scf.yield %max3A : vector<16xf32>
    }
    %scan3A_12 = arith.constant 511 : i32
    %reduce_max3A = arith.constant true
    %reduce_max3A_13 = vector.broadcast %reduce_max3A : i1 to vector<16xi1>
    %reduce_max3A_14 = tpu.scan <max>, %scan3A_11 masked %reduce_max3A_13 : vector<16xf32>, vector<16xi1> -> vector<16xf32>
    %reduce_max3A_15 = vector.extract %reduce_max3A_14[15] : f32 from vector<16xf32>
    %sub3A = arith.constant 1.000000e+00 : f32
    %sub3A_16 = arith.subf %reduce_max3A_15, %sub3A : f32
    %scan3A_17 = arith.constant 0 : i32
    %scan3A_18 = arith.constant 0 : i32
    %scan3A_19 = arith.constant 512 : i32
    %scan3A_20 = arith.addi %scan3A_18, %scan3A_19 : i32
    %scan3A_21 = arith.constant 1 : i32
    %scan3A_22 = scf.for %scan3A_79 = %scan3A_18 to %scan3A_20 step %scan3A_21 iter_args(%scan3A_80 = %scan3A_17) -> (i32)  : i32 {
      %mul3A_81 = arith.constant 16 : i32
      %mul3A_82 = arith.muli %scan3A_79, %mul3A_81 : i32
      %add3A_83 = arith.constant 0 : i32
      %add3A_84 = arith.addi %add3A_83, %mul3A_82 : i32
      %get3A_85 = arith.index_cast %add3A_84 : i32 to index
      %get3A_86 = tpu.vector_load %arg4[%get3A_85] {strides = array<i32>} : memref<16384xf32, #tpu.memory_space<vmem>>, vector<16xf32>,
      %mul3A_87 = arith.constant 16 : i32
      %mul3A_88 = arith.muli %scan3A_80, %mul3A_87 : i32
      %swap3A = arith.index_cast %mul3A_88 : i32 to index
      %swap3A_89 = tpu.vector_load %arg5[%swap3A] {strides = array<i32>} : memref<8192xf32, #tpu.memory_space<vmem>>, vector<16xf32>,
      tpu.vector_store %arg5[%swap3A], %get3A_86 {strides = array<i32>} : memref<8192xf32, #tpu.memory_space<vmem>>, vector<16xf32>,
      %gt3A = vector.broadcast %sub3A_16 : f32 to vector<16xf32>
      %gt3A_90 = arith.cmpf ogt, %get3A_86, %gt3A : vector<16xf32>
      %reduce_or3A = arith.constant 1.000000e+00 : f32
      %reduce_or3A_91 = arith.constant 0.000000e+00 : f32
      %reduce_or3A_92 = vector.broadcast %reduce_or3A : f32 to vector<16xf32>
      %reduce_or3A_93 = vector.broadcast %reduce_or3A_91 : f32 to vector<16xf32>
      %reduce_or3A_94 = arith.select %gt3A_90, %reduce_or3A_92, %reduce_or3A_93 : vector<16xi1>, vector<16xf32>
      %reduce_or3A_95 = arith.constant true
      %reduce_or3A_96 = vector.broadcast %reduce_or3A_95 : i1 to vector<16xi1>
      %reduce_or3A_97 = tpu.scan <max>, %reduce_or3A_94 masked %reduce_or3A_96 : vector<16xf32>, vector<16xi1> -> vector<16xf32>
      %reduce_or3A_98 = vector.extract %reduce_or3A_97[15] : f32 from vector<16xf32>
      %reduce_or3A_99 = arith.constant 0.000000e+00 : f32
      %reduce_or3A_100 = arith.cmpf ogt, %reduce_or3A_98, %reduce_or3A_99 : f32
      %convert_element_type3A = arith.extui %reduce_or3A_100 : i1 to i32
      %add3A_101 = arith.addi %scan3A_80, %convert_element_type3A : i32
      scf.yield %add3A_101 : i32
    }
    %scan3A_23 = arith.constant 512 : i32
    %scan3A_24 = arith.constant 0 : i32
    %scan3A_25 = arith.constant 30 : i32
    %scan3A_26 = arith.addi %scan3A_24, %scan3A_25 : i32
    %scan3A_27 = arith.constant 1 : i32
    %scan3A_28:2 = scf.for %scan3A_79 = %scan3A_24 to %scan3A_26 step %scan3A_27 iter_args(%scan3A_80 = %sub3A_16, %scan3A_81 = %reduce_max3A_15) -> (f32, f32)  : i32 {
      %add3A_82 = arith.addf %scan3A_80, %scan3A_81 : f32
      %mul3A_83 = arith.constant 5.000000e-01 : f32
      %mul3A_84 = arith.mulf %mul3A_83, %add3A_82 : f32
      %broadcast_in_dim3A = arith.constant 0.000000e+00 : f32
      %broadcast_in_dim3A_85 = vector.broadcast %broadcast_in_dim3A : f32 to vector<16xf32>
      %while3A = arith.constant 0 : i32
      %while3A_86 = arith.subi %scan3A_22, %while3A : i32
      %while3A_87 = arith.addi %while3A, %while3A_86 : i32
      %while3A_88 = arith.constant 1 : i32
      %while3A_89 = arith.divsi %while3A_86, %while3A_88 : i32
      %while3A_90 = arith.muli %while3A_89, %while3A_88 : i32
      %while3A_91 = arith.addi %while3A, %while3A_90 : i32
      %while3A_92 = arith.constant 1 : i32
      %while3A_93 = scf.for %while3A_101 = %while3A to %while3A_91 step %while3A_92 iter_args(%while3A_102 = %broadcast_in_dim3A_85) -> (vector<16xf32>)  : i32 {
        %mul3A_103 = arith.constant 16 : i32
        %mul3A_104 = arith.muli %while3A_101, %mul3A_103 : i32
        %get3A_105 = arith.index_cast %mul3A_104 : i32 to index
        %get3A_106 = tpu.vector_load %arg5[%get3A_105] {strides = array<i32>} : memref<8192xf32, #tpu.memory_space<vmem>>, vector<16xf32>,
        %sub3A_107 = vector.broadcast %mul3A_84 : f32 to vector<16xf32>
        %sub3A_108 = arith.subf %get3A_106, %sub3A_107 : vector<16xf32>
        %max3A = arith.constant 0.000000e+00 : f32
        %max3A_109 = vector.broadcast %max3A : f32 to vector<16xf32>
        %max3A_110 = arith.maximumf %sub3A_108, %max3A_109 : vector<16xf32>
        %add3A_111 = arith.addf %while3A_102, %max3A_110 : vector<16xf32>
        scf.yield %add3A_111 : vector<16xf32>
      }
      %while3A_94 = arith.constant 1 : i32
      %while3A_95 = scf.for %while3A_101 = %while3A_91 to %while3A_87 step %while3A_94 iter_args(%while3A_102 = %while3A_93) -> (vector<16xf32>)  : i32 {
        %mul3A_103 = arith.constant 16 : i32
        %mul3A_104 = arith.muli %while3A_101, %mul3A_103 : i32
        %get3A_105 = arith.index_cast %mul3A_104 : i32 to index
        %get3A_106 = tpu.vector_load %arg5[%get3A_105] {strides = array<i32>} : memref<8192xf32, #tpu.memory_space<vmem>>, vector<16xf32>,
        %sub3A_107 = vector.broadcast %mul3A_84 : f32 to vector<16xf32>
        %sub3A_108 = arith.subf %get3A_106, %sub3A_107 : vector<16xf32>
        %max3A = arith.constant 0.000000e+00 : f32
        %max3A_109 = vector.broadcast %max3A : f32 to vector<16xf32>
        %max3A_110 = arith.maximumf %sub3A_108, %max3A_109 : vector<16xf32>
        %add3A_111 = arith.addf %while3A_102, %max3A_110 : vector<16xf32>
        scf.yield %add3A_111 : vector<16xf32>
      }
      %reduce_sum3A = arith.constant true
      %reduce_sum3A_96 = vector.broadcast %reduce_sum3A : i1 to vector<16xi1>
      %reduce_sum3A_97 = tpu.scan <sum>, %while3A_95 masked %reduce_sum3A_96 : vector<16xf32>, vector<16xi1> -> vector<16xf32>
      %reduce_sum3A_98 = vector.extract %reduce_sum3A_97[15] : f32 from vector<16xf32>
      %gt3A = arith.constant 1.000000e+00 : f32
      %gt3A_99 = arith.cmpf ogt, %reduce_sum3A_98, %gt3A : f32
      %select_n3A = arith.select %gt3A_99, %mul3A_84, %scan3A_80 : f32
      %select_n3A_100 = arith.select %gt3A_99, %scan3A_81, %mul3A_84 : f32
      scf.yield %select_n3A, %select_n3A_100 : f32, f32
    }
    %scan3A_29 = arith.constant 30 : i32
    %add3A_30 = arith.addf %scan3A_28#0, %scan3A_28#1 : f32
    %mul3A_31 = arith.constant 5.000000e-01 : f32
    %mul3A_32 = arith.mulf %mul3A_31, %add3A_30 : f32
    %scan3A_33 = arith.constant 0 : i32
    %scan3A_34 = arith.constant 0 : i32
    %scan3A_35 = arith.constant 512 : i32
    %scan3A_36 = arith.addi %scan3A_34, %scan3A_35 : i32
    %scan3A_37 = arith.constant 1 : i32
    scf.for %scan3A_79 = %scan3A_34 to %scan3A_36 step %scan3A_37  : i32 {
      %mul3A_80 = arith.constant 16 : i32
      %mul3A_81 = arith.muli %scan3A_79, %mul3A_80 : i32
      %add3A_82 = arith.constant 0 : i32
      %add3A_83 = arith.addi %add3A_82, %mul3A_81 : i32
      %get3A_84 = arith.index_cast %add3A_83 : i32 to index
      %get3A_85 = tpu.vector_load %arg4[%get3A_84] {strides = array<i32>} : memref<16384xf32, #tpu.memory_space<vmem>>, vector<16xf32>,
      %sub3A_86 = vector.broadcast %mul3A_32 : f32 to vector<16xf32>
      %sub3A_87 = arith.subf %get3A_85, %sub3A_86 : vector<16xf32>
      %max3A = arith.constant 0.000000e+00 : f32
      %max3A_88 = vector.broadcast %max3A : f32 to vector<16xf32>
      %max3A_89 = arith.maximumf %sub3A_87, %max3A_88 : vector<16xf32>
      %mul3A_90 = arith.constant 16 : i32
      %mul3A_91 = arith.muli %scan3A_79, %mul3A_90 : i32
      %add3A_92 = arith.constant 0 : i32
      %add3A_93 = arith.addi %add3A_92, %mul3A_91 : i32
      %swap3A = arith.index_cast %add3A_93 : i32 to index
      %swap3A_94 = tpu.vector_load %arg4[%swap3A] {strides = array<i32>} : memref<16384xf32, #tpu.memory_space<vmem>>, vector<16xf32>,
      tpu.vector_store %arg4[%swap3A], %max3A_89 {strides = array<i32>} : memref<16384xf32, #tpu.memory_space<vmem>>, vector<16xf32>,
    }
    %scan3A_38 = arith.constant 512 : i32
    %get3A_39 = arith.constant 8192 : index
    %get3A_40 = tpu.vector_load %arg4[%get3A_39] {strides = array<i32>} : memref<16384xf32, #tpu.memory_space<vmem>>, vector<16xf32>,
    %scan3A_41 = arith.constant 1 : i32
    %scan3A_42 = arith.constant 511 : i32
    %scan3A_43 = arith.addi %scan3A_41, %scan3A_42 : i32
    %scan3A_44 = arith.constant 1 : i32
    %scan3A_45 = scf.for %scan3A_79 = %scan3A_41 to %scan3A_43 step %scan3A_44 iter_args(%scan3A_80 = %get3A_40) -> (vector<16xf32>)  : i32 {
      %mul3A_81 = arith.constant 16 : i32
      %mul3A_82 = arith.muli %scan3A_79, %mul3A_81 : i32
      %add3A_83 = arith.constant 8192 : i32
      %add3A_84 = arith.addi %add3A_83, %mul3A_82 : i32
      %get3A_85 = arith.index_cast %add3A_84 : i32 to index
      %get3A_86 = tpu.vector_load %arg4[%get3A_85] {strides = array<i32>} : memref<16384xf32, #tpu.memory_space<vmem>>, vector<16xf32>,
      %max3A = arith.maximumf %scan3A_80, %get3A_86 : vector<16xf32>
      scf.yield %max3A : vector<16xf32>
    }
    %scan3A_46 = arith.constant 511 : i32
    %reduce_max3A_47 = arith.constant true
    %reduce_max3A_48 = vector.broadcast %reduce_max3A_47 : i1 to vector<16xi1>
    %reduce_max3A_49 = tpu.scan <max>, %scan3A_45 masked %reduce_max3A_48 : vector<16xf32>, vector<16xi1> -> vector<16xf32>
    %reduce_max3A_50 = vector.extract %reduce_max3A_49[15] : f32 from vector<16xf32>
    %sub3A_51 = arith.constant 1.000000e+00 : f32
    %sub3A_52 = arith.subf %reduce_max3A_50, %sub3A_51 : f32
    %scan3A_53 = arith.constant 0 : i32
    %scan3A_54 = arith.constant 0 : i32
    %scan3A_55 = arith.constant 512 : i32
    %scan3A_56 = arith.addi %scan3A_54, %scan3A_55 : i32
    %scan3A_57 = arith.constant 1 : i32
    %scan3A_58 = scf.for %scan3A_79 = %scan3A_54 to %scan3A_56 step %scan3A_57 iter_args(%scan3A_80 = %scan3A_53) -> (i32)  : i32 {
      %mul3A_81 = arith.constant 16 : i32
      %mul3A_82 = arith.muli %scan3A_79, %mul3A_81 : i32
      %add3A_83 = arith.constant 8192 : i32
      %add3A_84 = arith.addi %add3A_83, %mul3A_82 : i32
      %get3A_85 = arith.index_cast %add3A_84 : i32 to index
      %get3A_86 = tpu.vector_load %arg4[%get3A_85] {strides = array<i32>} : memref<16384xf32, #tpu.memory_space<vmem>>, vector<16xf32>,
      %mul3A_87 = arith.constant 16 : i32
      %mul3A_88 = arith.muli %scan3A_80, %mul3A_87 : i32
      %swap3A = arith.index_cast %mul3A_88 : i32 to index
      %swap3A_89 = tpu.vector_load %arg5[%swap3A] {strides = array<i32>} : memref<8192xf32, #tpu.memory_space<vmem>>, vector<16xf32>,
      tpu.vector_store %arg5[%swap3A], %get3A_86 {strides = array<i32>} : memref<8192xf32, #tpu.memory_space<vmem>>, vector<16xf32>,
      %gt3A = vector.broadcast %sub3A_52 : f32 to vector<16xf32>
      %gt3A_90 = arith.cmpf ogt, %get3A_86, %gt3A : vector<16xf32>
      %reduce_or3A = arith.constant 1.000000e+00 : f32
      %reduce_or3A_91 = arith.constant 0.000000e+00 : f32
      %reduce_or3A_92 = vector.broadcast %reduce_or3A : f32 to vector<16xf32>
      %reduce_or3A_93 = vector.broadcast %reduce_or3A_91 : f32 to vector<16xf32>
      %reduce_or3A_94 = arith.select %gt3A_90, %reduce_or3A_92, %reduce_or3A_93 : vector<16xi1>, vector<16xf32>
      %reduce_or3A_95 = arith.constant true
      %reduce_or3A_96 = vector.broadcast %reduce_or3A_95 : i1 to vector<16xi1>
      %reduce_or3A_97 = tpu.scan <max>, %reduce_or3A_94 masked %reduce_or3A_96 : vector<16xf32>, vector<16xi1> -> vector<16xf32>
      %reduce_or3A_98 = vector.extract %reduce_or3A_97[15] : f32 from vector<16xf32>
      %reduce_or3A_99 = arith.constant 0.000000e+00 : f32
      %reduce_or3A_100 = arith.cmpf ogt, %reduce_or3A_98, %reduce_or3A_99 : f32
      %convert_element_type3A = arith.extui %reduce_or3A_100 : i1 to i32
      %add3A_101 = arith.addi %scan3A_80, %convert_element_type3A : i32
      scf.yield %add3A_101 : i32
    }
    %scan3A_59 = arith.constant 512 : i32
    %scan3A_60 = arith.constant 0 : i32
    %scan3A_61 = arith.constant 30 : i32
    %scan3A_62 = arith.addi %scan3A_60, %scan3A_61 : i32
    %scan3A_63 = arith.constant 1 : i32
    %scan3A_64:2 = scf.for %scan3A_79 = %scan3A_60 to %scan3A_62 step %scan3A_63 iter_args(%scan3A_80 = %sub3A_52, %scan3A_81 = %reduce_max3A_50) -> (f32, f32)  : i32 {
      %add3A_82 = arith.addf %scan3A_80, %scan3A_81 : f32
      %mul3A_83 = arith.constant 5.000000e-01 : f32
      %mul3A_84 = arith.mulf %mul3A_83, %add3A_82 : f32
      %broadcast_in_dim3A = arith.constant 0.000000e+00 : f32
      %broadcast_in_dim3A_85 = vector.broadcast %broadcast_in_dim3A : f32 to vector<16xf32>
      %while3A = arith.constant 0 : i32
      %while3A_86 = arith.subi %scan3A_58, %while3A : i32
      %while3A_87 = arith.addi %while3A, %while3A_86 : i32
      %while3A_88 = arith.constant 1 : i32
      %while3A_89 = arith.divsi %while3A_86, %while3A_88 : i32
      %while3A_90 = arith.muli %while3A_89, %while3A_88 : i32
      %while3A_91 = arith.addi %while3A, %while3A_90 : i32
      %while3A_92 = arith.constant 1 : i32
      %while3A_93 = scf.for %while3A_101 = %while3A to %while3A_91 step %while3A_92 iter_args(%while3A_102 = %broadcast_in_dim3A_85) -> (vector<16xf32>)  : i32 {
        %mul3A_103 = arith.constant 16 : i32
        %mul3A_104 = arith.muli %while3A_101, %mul3A_103 : i32
        %get3A_105 = arith.index_cast %mul3A_104 : i32 to index
        %get3A_106 = tpu.vector_load %arg5[%get3A_105] {strides = array<i32>} : memref<8192xf32, #tpu.memory_space<vmem>>, vector<16xf32>,
        %sub3A_107 = vector.broadcast %mul3A_84 : f32 to vector<16xf32>
        %sub3A_108 = arith.subf %get3A_106, %sub3A_107 : vector<16xf32>
        %max3A = arith.constant 0.000000e+00 : f32
        %max3A_109 = vector.broadcast %max3A : f32 to vector<16xf32>
        %max3A_110 = arith.maximumf %sub3A_108, %max3A_109 : vector<16xf32>
        %add3A_111 = arith.addf %while3A_102, %max3A_110 : vector<16xf32>
        scf.yield %add3A_111 : vector<16xf32>
      }
      %while3A_94 = arith.constant 1 : i32
      %while3A_95 = scf.for %while3A_101 = %while3A_91 to %while3A_87 step %while3A_94 iter_args(%while3A_102 = %while3A_93) -> (vector<16xf32>)  : i32 {
        %mul3A_103 = arith.constant 16 : i32
        %mul3A_104 = arith.muli %while3A_101, %mul3A_103 : i32
        %get3A_105 = arith.index_cast %mul3A_104 : i32 to index
        %get3A_106 = tpu.vector_load %arg5[%get3A_105] {strides = array<i32>} : memref<8192xf32, #tpu.memory_space<vmem>>, vector<16xf32>,
        %sub3A_107 = vector.broadcast %mul3A_84 : f32 to vector<16xf32>
        %sub3A_108 = arith.subf %get3A_106, %sub3A_107 : vector<16xf32>
        %max3A = arith.constant 0.000000e+00 : f32
        %max3A_109 = vector.broadcast %max3A : f32 to vector<16xf32>
        %max3A_110 = arith.maximumf %sub3A_108, %max3A_109 : vector<16xf32>
        %add3A_111 = arith.addf %while3A_102, %max3A_110 : vector<16xf32>
        scf.yield %add3A_111 : vector<16xf32>
      }
      %reduce_sum3A = arith.constant true
      %reduce_sum3A_96 = vector.broadcast %reduce_sum3A : i1 to vector<16xi1>
      %reduce_sum3A_97 = tpu.scan <sum>, %while3A_95 masked %reduce_sum3A_96 : vector<16xf32>, vector<16xi1> -> vector<16xf32>
      %reduce_sum3A_98 = vector.extract %reduce_sum3A_97[15] : f32 from vector<16xf32>
      %gt3A = arith.constant 1.000000e+00 : f32
      %gt3A_99 = arith.cmpf ogt, %reduce_sum3A_98, %gt3A : f32
      %select_n3A = arith.select %gt3A_99, %mul3A_84, %scan3A_80 : f32
      %select_n3A_100 = arith.select %gt3A_99, %scan3A_81, %mul3A_84 : f32
      scf.yield %select_n3A, %select_n3A_100 : f32, f32
    }
    %scan3A_65 = arith.constant 30 : i32
    %add3A_66 = arith.addf %scan3A_64#0, %scan3A_64#1 : f32
    %mul3A_67 = arith.constant 5.000000e-01 : f32
    %mul3A_68 = arith.mulf %mul3A_67, %add3A_66 : f32
    %scan3A_69 = arith.constant 0 : i32
    %scan3A_70 = arith.constant 0 : i32
    %scan3A_71 = arith.constant 512 : i32
    %scan3A_72 = arith.addi %scan3A_70, %scan3A_71 : i32
    %scan3A_73 = arith.constant 1 : i32
    scf.for %scan3A_79 = %scan3A_70 to %scan3A_72 step %scan3A_73  : i32 {
      %mul3A_80 = arith.constant 16 : i32
      %mul3A_81 = arith.muli %scan3A_79, %mul3A_80 : i32
      %add3A_82 = arith.constant 8192 : i32
      %add3A_83 = arith.addi %add3A_82, %mul3A_81 : i32
      %get3A_84 = arith.index_cast %add3A_83 : i32 to index
      %get3A_85 = tpu.vector_load %arg4[%get3A_84] {strides = array<i32>} : memref<16384xf32, #tpu.memory_space<vmem>>, vector<16xf32>,
      %sub3A_86 = vector.broadcast %mul3A_68 : f32 to vector<16xf32>
      %sub3A_87 = arith.subf %get3A_85, %sub3A_86 : vector<16xf32>
      %max3A = arith.constant 0.000000e+00 : f32
      %max3A_88 = vector.broadcast %max3A : f32 to vector<16xf32>
      %max3A_89 = arith.maximumf %sub3A_87, %max3A_88 : vector<16xf32>
      %mul3A_90 = arith.constant 16 : i32
      %mul3A_91 = arith.muli %scan3A_79, %mul3A_90 : i32
      %add3A_92 = arith.constant 8192 : i32
      %add3A_93 = arith.addi %add3A_92, %mul3A_91 : i32
      %swap3A = arith.index_cast %add3A_93 : i32 to index
      %swap3A_94 = tpu.vector_load %arg4[%swap3A] {strides = array<i32>} : memref<16384xf32, #tpu.memory_space<vmem>>, vector<16xf32>,
      tpu.vector_store %arg4[%swap3A], %max3A_89 {strides = array<i32>} : memref<16384xf32, #tpu.memory_space<vmem>>, vector<16xf32>,
    }
    %scan3A_74 = arith.constant 512 : i32
    %add3A_75 = arith.constant 0 : i32
    %add3A_76 = arith.addi %mul3A_2, %add3A_75 : i32
    "tpu.region"() ({
      %run_scoped3A = tpu.sem_alloc : memref<!tpu.dma_semaphore, #tpu.memory_space<semaphore_mem>>
      %dma_start3A = arith.constant 0 : i32
      %dma_start3A_79 = tpu.memref_slice %arg4[%dma_start3A] : memref<16384xf32, #tpu.memory_space<vmem>> -> memref<8192xf32, #tpu.memory_space<vmem>>
      %dma_start3A_80 = arith.constant 0 : i32
      %dma_start3A_81 = tpu.memref_slice %arg3[%add3A_76, %dma_start3A_80] : memref<64x8192xf32, #tpu.memory_space<hbm>> -> memref<1x8192xf32, #tpu.memory_space<hbm>>
      %dma_start3A_82 = tpu.memref_squeeze %dma_start3A_81 : memref<1x8192xf32, #tpu.memory_space<hbm>> -> memref<8192xf32, #tpu.memory_space<hbm>>
      %dma_start3A_83 = arith.constant 0 : i32
      %dma_start3A_84 = tpu.memref_slice %arg3[%add3A_76, %dma_start3A_83] : memref<64x8192xf32, #tpu.memory_space<hbm>> -> memref<1x8192xf32, #tpu.memory_space<hbm>>
      %dma_start3A_85 = tpu.memref_squeeze %dma_start3A_84 : memref<1x8192xf32, #tpu.memory_space<hbm>> -> memref<8192xf32, #tpu.memory_space<hbm>>
      %dma_start3A_86 = arith.constant 0 : i32
      %dma_start3A_87 = tpu.memref_slice %arg4[%dma_start3A_86] : memref<16384xf32, #tpu.memory_space<vmem>> -> memref<8192xf32, #tpu.memory_space<vmem>>
      tpu.enqueue_dma source(%dma_start3A_87 : memref<8192xf32, #tpu.memory_space<vmem>>) target(%dma_start3A_85 : memref<8192xf32, #tpu.memory_space<hbm>>) target_semaphore(%run_scoped3A : memref<!tpu.dma_semaphore, #tpu.memory_space<semaphore_mem>>)
      %dma_wait3A = arith.constant 0 : i32
      %dma_wait3A_88 = tpu.memref_slice %arg4[%dma_wait3A] : memref<16384xf32, #tpu.memory_space<vmem>> -> memref<8192xf32, #tpu.memory_space<vmem>>
      %dma_wait3A_89 = arith.constant 0 : i32
      %dma_wait3A_90 = tpu.memref_slice %arg3[%add3A_76, %dma_wait3A_89] : memref<64x8192xf32, #tpu.memory_space<hbm>> -> memref<1x8192xf32, #tpu.memory_space<hbm>>
      %dma_wait3A_91 = tpu.memref_squeeze %dma_wait3A_90 : memref<1x8192xf32, #tpu.memory_space<hbm>> -> memref<8192xf32, #tpu.memory_space<hbm>>
      %dma_wait3A_92 = arith.constant 0 : i32
      %dma_wait3A_93 = tpu.memref_slice %arg3[%add3A_76, %dma_wait3A_92] : memref<64x8192xf32, #tpu.memory_space<hbm>> -> memref<1x8192xf32, #tpu.memory_space<hbm>>
      %dma_wait3A_94 = tpu.memref_squeeze %dma_wait3A_93 : memref<1x8192xf32, #tpu.memory_space<hbm>> -> memref<8192xf32, #tpu.memory_space<hbm>>
      %dma_wait3A_95 = arith.constant 0 : i32
      %dma_wait3A_96 = tpu.memref_slice %arg4[%dma_wait3A_95] : memref<16384xf32, #tpu.memory_space<vmem>> -> memref<8192xf32, #tpu.memory_space<vmem>>
      tpu.wait_dma2 semaphore(%run_scoped3A : memref<!tpu.dma_semaphore, #tpu.memory_space<semaphore_mem>>) src(%dma_wait3A_96 : memref<8192xf32, #tpu.memory_space<vmem>>) dst(%dma_wait3A_94 : memref<8192xf32, #tpu.memory_space<hbm>>)
      tpu.yield
    }) : () -> ()
    %add3A_77 = arith.constant 1 : i32
    %add3A_78 = arith.addi %mul3A_2, %add3A_77 : i32
    "tpu.region"() ({
      %run_scoped3A = tpu.sem_alloc : memref<!tpu.dma_semaphore, #tpu.memory_space<semaphore_mem>>
      %dma_start3A = arith.constant 8192 : i32
      %dma_start3A_79 = tpu.memref_slice %arg4[%dma_start3A] : memref<16384xf32, #tpu.memory_space<vmem>> -> memref<8192xf32, #tpu.memory_space<vmem>>
      %dma_start3A_80 = arith.constant 0 : i32
      %dma_start3A_81 = tpu.memref_slice %arg3[%add3A_78, %dma_start3A_80] : memref<64x8192xf32, #tpu.memory_space<hbm>> -> memref<1x8192xf32, #tpu.memory_space<hbm>>
      %dma_start3A_82 = tpu.memref_squeeze %dma_start3A_81 : memref<1x8192xf32, #tpu.memory_space<hbm>> -> memref<8192xf32, #tpu.memory_space<hbm>>
      %dma_start3A_83 = arith.constant 0 : i32
      %dma_start3A_84 = tpu.memref_slice %arg3[%add3A_78, %dma_start3A_83] : memref<64x8192xf32, #tpu.memory_space<hbm>> -> memref<1x8192xf32, #tpu.memory_space<hbm>>
      %dma_start3A_85 = tpu.memref_squeeze %dma_start3A_84 : memref<1x8192xf32, #tpu.memory_space<hbm>> -> memref<8192xf32, #tpu.memory_space<hbm>>
      %dma_start3A_86 = arith.constant 8192 : i32
      %dma_start3A_87 = tpu.memref_slice %arg4[%dma_start3A_86] : memref<16384xf32, #tpu.memory_space<vmem>> -> memref<8192xf32, #tpu.memory_space<vmem>>
      tpu.enqueue_dma source(%dma_start3A_87 : memref<8192xf32, #tpu.memory_space<vmem>>) target(%dma_start3A_85 : memref<8192xf32, #tpu.memory_space<hbm>>) target_semaphore(%run_scoped3A : memref<!tpu.dma_semaphore, #tpu.memory_space<semaphore_mem>>)
      %dma_wait3A = arith.constant 8192 : i32
      %dma_wait3A_88 = tpu.memref_slice %arg4[%dma_wait3A] : memref<16384xf32, #tpu.memory_space<vmem>> -> memref<8192xf32, #tpu.memory_space<vmem>>
      %dma_wait3A_89 = arith.constant 0 : i32
      %dma_wait3A_90 = tpu.memref_slice %arg3[%add3A_78, %dma_wait3A_89] : memref<64x8192xf32, #tpu.memory_space<hbm>> -> memref<1x8192xf32, #tpu.memory_space<hbm>>
      %dma_wait3A_91 = tpu.memref_squeeze %dma_wait3A_90 : memref<1x8192xf32, #tpu.memory_space<hbm>> -> memref<8192xf32, #tpu.memory_space<hbm>>
      %dma_wait3A_92 = arith.constant 0 : i32
      %dma_wait3A_93 = tpu.memref_slice %arg3[%add3A_78, %dma_wait3A_92] : memref<64x8192xf32, #tpu.memory_space<hbm>> -> memref<1x8192xf32, #tpu.memory_space<hbm>>
      %dma_wait3A_94 = tpu.memref_squeeze %dma_wait3A_93 : memref<1x8192xf32, #tpu.memory_space<hbm>> -> memref<8192xf32, #tpu.memory_space<hbm>>
      %dma_wait3A_95 = arith.constant 8192 : i32
      %dma_wait3A_96 = tpu.memref_slice %arg4[%dma_wait3A_95] : memref<16384xf32, #tpu.memory_space<vmem>> -> memref<8192xf32, #tpu.memory_space<vmem>>
      tpu.wait_dma2 semaphore(%run_scoped3A : memref<!tpu.dma_semaphore, #tpu.memory_space<semaphore_mem>>) src(%dma_wait3A_96 : memref<8192xf32, #tpu.memory_space<vmem>>) dst(%dma_wait3A_94 : memref<8192xf32, #tpu.memory_space<hbm>>)
      tpu.yield
    }) : () -> ()
    return
  }
}

</mosaic_0001>

<sc_bundles>
// kernel: kernel.3.cloned.1.call-start
scs
__scs_entry_jumppad:
0x0: {  	(pc) =	sbr.rel $0x88, $3  }
0x1: {  	(tag) =	ssettag $0x0;
	lr =	simm.s32 $0x1  }
0x2: {  	[smem:$0x3FA0] =	sst lr;
	_ =	strace $0xD0000000  }
0x3: {  	_ = 	snop  }
0x4: {  	_ = 	snop  }
0x5: {  	_ = 	snop  }
0x6: {  	_ = 	snop  }
0x7: {  	_ = 	snop  }
__scs_overlays_trampoline_lowered:
0x8: {  	[smem:$0x3FAF] =	sst s0  }
0x9: {  	[smem:$0x3FB0] =	sst s1  }
0xa: {  	[smem:$0x3FB1] =	sst s2  }
0xb: {  	[smem:$0x3FB2] =	sst s3  }
0xc: {  	[smem:$0x3FB3] =	sst s4  }
0xd: {  	[smem:$0x3FB4] =	sst s5  }
0xe: {  	[smem:$0x3FB5] =	sst s6  }
0xf: {  	[smem:$0x3FB6] =	sst s7  }
0x10: {  	[smem:$0x3FB7] =	sst s8  }
0x11: {  	[smem:$0x3FB8] =	sst s9;
	s0 =	simm.s32 @!p0 $0x0  }
0x12: {  	s1 =	sld [smem:$0x3F9E];
	s0 =	simm.s32 @p0 $0x1  }
0x13: {  	[smem:$0x3FB9] =	sst s0;
	s0 =	simm.s32 @!p1 $0x0  }
0x14: {  	s2 =	sld [smem:$0x3F9D];
	s0 =	simm.s32 @p1 $0x1  }
0x15: {  	[smem:$0x3FBA] =	sst s0;
	s0 =	simm.s32 @!p2 $0x0  }
0x16: {  	s3 =	sld [smem:$0x3FDB];
	s0 =	simm.s32 @p2 $0x1  }
0x17: {  	s4 =	simm.s32 $0x1BF5;
	[smem:$0x3FBC] =	sst s0  }
0x18: {  	s0 =	sld [smem:$0x3F9F];
	_ =	swait.ge [sflag:s4], $0x0  }
0x19: {  	s7 =	sld [smem:$0x3FA0]  }
0x1a: {  	s8 =	sadd.s32 $0xFFFFE003, lr  }
0x1b: {  	s9 =	sadd.s32 $0xFFFFFEF7, lr;
	s5 =	simm.s32 $0xFFFFFFFF;
	p2 =	slt.u32 s8, $0xFFFFF086  }
0x1c: {  	p1 =	slt.u32 s9, $0xF7A;
	s5 =	simm.s32 @!p2 $0x0  }
0x1d: {  	s5 =	simm.s32 @p1 $0x1;
	p0 =	seq.s32 s7, s2  }
0x1e: {  	s7 =	smul.u32 @!p0 $0xF7A, s2;
	p2 =	seq.s32 @!p0 s5, $0x0  }
0x1f: {  	s9 =	smul.u32 $0xF7A, s1;
	s8 =	simm.s32 @!p0 $0x1BF5;
	p2 =	por !p2, p0  }
0x20: {  	[sflag:s8] =	ssyncset.s32 @!p0 $0xFFFFF086;
	s6 =	sadd.s32 @!p0 s3, s7;
	s7 =	simm.s32 @!p0 $0x108  }
0x21: {  	s3 =	sadd.s32 s3, s9;
	s6 =	sadd.s32 @!p0 $0x88, s6;
	s7 =	simm.s32 @p2 $0x1082  }
0x22: {  	[simem:s7], [sflag:s8] =	dma.local @!p0 [hbm:s6], $0xF7A  }
0x23: {  	s9 =	sor.u32 $0xD0000000, s2;
	s6 =	simm.s32 $0x108;
	_ =	swait.ge @!p0 [sflag:s8], $0x0  }
0x24: {  	s3 =	sadd.s32 $0x88, s3;
	s6 =	simm.s32 @!p1 $0x1082;
	[sflag:s4] =	ssyncset.s32 $0xFFFFF086  }
0x25: {  	[simem:s6], [sflag:s4] =	dma.local [hbm:s3], $0xF7A  }
0x26: {  	[smem:$0x3FA0] =	sst s1;
	(tag) =	ssettag s2;
	_ =	strace s9  }
0x27: {  	s1 =	sld [smem:$0x3FB0]  }
0x28: {  	s2 =	sld [smem:$0x3FB1]  }
0x29: {  	s4 =	sld [smem:$0x3FB3]  }
0x2a: {  	p0 =	seq.s32 s5, $0x0;
	s5 =	sld [smem:$0x3FB4]  }
0x2b: {  	s6 =	sld [smem:$0x3FB5]  }
0x2c: {  	s7 =	sld [smem:$0x3FB6]  }
0x2d: {  	s3 =	simm.s32 $0x108;
	s8 =	sld [smem:$0x3FB7]  }
0x2e: {  	s3 =	simm.s32 @!p0 $0x1082;
	s9 =	sld [smem:$0x3FB8]  }
0x2f: {  	lr =	sadd.s32 s0, s3;
	s0 =	sld [smem:$0x3FAF]  }
0x30: {  	s3 =	sld [smem:$0x3FB2]  }
0x31: {  	[smem:$0x3FBB] =	sst s10  }
0x32: {  	s10 =	sld [smem:$0x3FB9];
	_ =	sdelay $0x3  }
0x33: {  	p0 =	seq.s32 s10, $0x1;
	s10 =	sld [smem:$0x3FBB];
	_ =	sdelay $0x3  }
0x34: {  	[smem:$0x3FBB] =	sst s10  }
0x35: {  	s10 =	sld [smem:$0x3FBA];
	_ =	sdelay $0x3  }
0x36: {  	p1 =	seq.s32 s10, $0x1;
	s10 =	sld [smem:$0x3FBB];
	_ =	sdelay $0x3  }
0x37: {  	[smem:$0x3FBB] =	sst s10  }
0x38: {  	s10 =	sld [smem:$0x3FBC]  }
0x39: {  	_ = 	snop;
	(pc) =	sbr.ind lr, $3  }
0x3a: {  	_ = 	snop  }
0x3b: {  	_ = 	snop  }
0x3c: {  	p2 =	seq.s32 s10, $0x1;
	s10 =	sld [smem:$0x3FBB]  }
0x3d: {  	_ =	shalt  }
0x3e: {  	_ =	shalt  }
0x3f: {  	_ =	shalt  }
0x40: {  	_ =	shalt  }
0x41: {  	_ =	shalt  }
0x42: {  	_ =	shalt  }
0x43: {  	_ =	shalt  }
0x44: {  	_ =	shalt  }
0x45: {  	_ =	shalt  }
0x46: {  	_ =	shalt  }
0x47: {  	_ =	shalt  }
0x48: {  	_ =	shalt  }
0x49: {  	_ =	shalt  }
0x4a: {  	_ =	shalt  }
0x4b: {  	_ =	shalt  }
0x4c: {  	_ =	shalt  }
0x4d: {  	_ =	shalt  }
0x4e: {  	_ =	shalt  }
0x4f: {  	_ =	shalt  }
0x50: {  	_ =	shalt  }
0x51: {  	_ =	shalt  }
0x52: {  	_ =	shalt  }
0x53: {  	_ =	shalt  }
0x54: {  	_ =	shalt  }
0x55: {  	_ =	shalt  }
0x56: {  	_ =	shalt  }
0x57: {  	_ =	shalt  }
0x58: {  	_ =	shalt  }
0x59: {  	_ =	shalt  }
0x5a: {  	_ =	shalt  }
0x5b: {  	_ =	shalt  }
0x5c: {  	_ =	shalt  }
0x5d: {  	_ =	shalt  }
0x5e: {  	_ =	shalt  }
0x5f: {  	_ =	shalt  }
0x60: {  	_ =	shalt  }
0x61: {  	_ =	shalt  }
0x62: {  	_ =	shalt  }
0x63: {  	_ =	shalt  }
0x64: {  	_ =	shalt  }
0x65: {  	_ =	shalt  }
0x66: {  	_ =	shalt  }
0x67: {  	_ =	shalt  }
0x68: {  	_ =	shalt  }
0x69: {  	_ =	shalt  }
0x6a: {  	_ =	shalt  }
0x6b: {  	_ =	shalt  }
0x6c: {  	_ =	shalt  }
0x6d: {  	_ =	shalt  }
0x6e: {  	_ =	shalt  }
0x6f: {  	_ =	shalt  }
0x70: {  	_ =	shalt  }
0x71: {  	_ =	shalt  }
0x72: {  	_ =	shalt  }
0x73: {  	_ =	shalt  }
0x74: {  	_ =	shalt  }
0x75: {  	_ =	shalt  }
0x76: {  	_ =	shalt  }
0x77: {  	_ =	shalt  }
0x78: {  	_ =	shalt  }
0x79: {  	_ =	shalt  }
0x7a: {  	_ =	shalt  }
0x7b: {  	_ =	shalt  }
0x7c: {  	_ =	shalt  }
0x7d: {  	_ =	shalt  }
0x7e: {  	_ =	shalt  }
0x7f: {  	_ =	shalt  }
0x80: {  	_ =	shalt  }
0x81: {  	_ =	shalt  }
0x82: {  	_ =	shalt  }
0x83: {  	_ =	shalt  }
0x84: {  	_ =	shalt  }
0x85: {  	_ =	shalt  }
0x86: {  	_ =	shalt  }
0x87: {  	_ =	shalt  }
.Lfunc_end0:
.L_simem_size_0:
called_computation_lowered:
.L_overlay_start_0:
0x88: {  	s2 =	sld [smem:$0x3FD9]  }
0x89: {  	s3 =	sld [smem:$0x3FFE];
	_ =	sdelay $0x1  }
0x8a: {  	s1 =	srdreg.scid  }
0x8b: {  	s0 =	sand.u32 $0x1, s1  }
0x8c: {  	s18 =	sshll.u32 s0, $0xA;
	s2 =	sadd.s32 s3, s2  }
0x8d: {  	s2 =	sadd.s32 s2, s18  }
0x8e: {  	[smem:$0x3FC7] =	sst s2  }
0x8f: {  	_ = 	snop  }
0x90: {  	s2 =	sld [smem:$0x3FC9]  }
0x91: {  	s19 =	sld [smem:$0x3FD0];
	(tm) =	ssettm $0x1  }
0x92: {  	s4 =	sld [smem:$0x3FFB];
	_ =	sdelay $0x3  }
0x93: {  	_ =	strace s4  }
0x94: {  	s4 =	sld [smem:$0x3FFC];
	_ =	sdelay $0x3  }
0x95: {  	_ =	strace s4  }
0x96: {  	s4 =	sld [smem:$0x3FFD];
	_ =	sdelay $0x3  }
0x97: {  	_ =	strace s4  }
0x98: {  	_ =	strace $0x8FFFFFFF  }
0x99: {  	s20 =	sld [smem:$0x3FDB];
	_ =	sdelay $0x1  }
0x9a: {  	s5 =	simm.s32 $_scs_section_size  }
0x9b: {  	s6 =	simm.s32 $_size__tile_overlayer_lowered;
	s7 =	simm.s32 $_tile_overlayer_lowered  }
0x9c: {  	s23 =	simm.s32 $0x1BFF;
	s22 =	sshll.u32 s7, $0x1;
	s4 =	sadd.s32 s5, s20  }
0x9d: {  	s8 =	simm.s32 $0x0;
	s21 =	sshll.u32 s6, $0x1;
	s6 =	sadd.s32 s22, s4  }
0x9e: {  	[timem:s8], [sflag:s23] =	dma.local [hbm:s6], s21  }
0x9f: {  	_ =	swait.ge [sflag:s23], s21  }
0xa0: {  	s5 =	ssub.s32 $0x0, s21;
	[sflag:s23] =	ssyncset.done $0x0  }
0xa1: {  	[sflag:s23] =	ssyncadd.s32 s5;
	_ =	sdelay $0x1  }
0xa2: {  	s24 =	simm.s32 $0x1B8B  }
0xa3: {  	_ =	swait.ge [sflag:s24], $0x1  }
0xa4: {  	[sflag:s24] =	ssyncset.done $0x0  }
0xa5: {  	s25 =	simm.s32 $0x1B8E;
	[sflag:s24] =	ssyncadd.s32 $0xFFFFFFFF  }
0xa6: {  	s26 =	simm.s32 $execute0_lowered;
	[smem:$0x3FD2] =	sst s25  }
0xa7: {  	s5 =	sshll.u32 s26, $0x1;
	_ =	strace $0x80000046;
	[dreg:$0x1] =	wrdreg $0xFFFFFFFF  }
0xa8: {  	s28 =	simm.s32 $_size_execute0_lowered;
	s4 =	sadd.s32 s4, s5;
	[dreg:$0x0] =	wrdreg $0x0  }
0xa9: {  	s5 =	sshll.u32 s28, $0x1;
	[dreg:$0x2] =	wrdreg s4  }
0xaa: {  	[dreg:$0x3] =	wrdreg s5  }
0xab: {  	[dreg:$0x4] =	wrdreg $0xC0  }
0xac: {  	_ =	task [dreg:s8], $0x5FFFF  }
0xad: {  	[dreg:$0x1] =	wrdreg $0xFFFFFFFF  }
0xae: {  	[dreg:$0x0] =	wrdreg $0x60  }
0xaf: {  	[dreg:$0x2] =	wrdreg s2  }
0xb0: {  	[dreg:$0x3] =	wrdreg s19  }
0xb1: {  	[dreg:$0x4] =	wrdreg $0x9  }
0xb2: {  	_ =	task.clear_ibuf [dreg:s8], $0x5FFFF;
	_ =	strace $0x90000046  }
0xb3: {  	s29 =	simm.s32 $0x9;
	_ =	strace $0x80000048  }
0xb4: {  	_ =	swait.ge [sflag:s29], $0x1  }
0xb5: {  	[sflag:s29] =	ssyncadd.s32 $0xFFFFFFFF  }
0xb6: {  	_ =	strace $0x90000048  }
0xb7: {  	_ =	sfence  }
0xb8: {  	s30 =	sld [smem:$0x0];
	_ =	sdelay $0x2  }
0xb9: {  	s31 =	sshll.u32 s1, $0xD;
	s1 =	sshrl.u32 s1, $0x2  }
0xba: {  	s3 =	sand.u32 $0x4000, s31;
	s1 =	sadd.s32 s1, s30  }
0xbb: {  	s0 =	sor.u32 s3, s0;
	s1 =	sshll.u32 s1, $0x11  }
0xbc: {  	s0 =	sor.u32 s1, s0  }
0xbd: {  	s0 =	sadd.s32 $0x8F2B, s0  }
0xbe: {  	[sflag:s0] =	ssyncadd.remote.s32 $0x1  }
0xbf: {  	_ =	sfence.sel $0xFFFF  }
0xc0: {  	[dreg:$0x0] =	wrdreg $0xFFFFFFFF;
	(pc) =	sbr.abs _section_cstart, $3  }
0xc1: {  	[dreg:$0x1] =	wrdreg $0xFFFFFFFF  }
0xc2: {  	_ =	task.clear_ibuf [dreg:s8], $0x2FFFF;
	_ =	strace $0x9FFFFFFF  }
0xc3: {  	(tm) =	ssettm $0x7FFFFFFF  }
tec
execute0_lowered:
.L_overlay_start_1:
0x0: {  	(tag) =	ssettag $0x1  }
0x1: {  	s4 =	rddreg [dreg:$0x0]  }
0x2: {  	s6 =	rddreg [dreg:$0x1]  }
0x3: {  	s0 =	rddreg [dreg:$0x2]  }
0x4: {  	s2 =	simm.s32 $0x0;
	s3 =	srdreg.scid;
	s1 =	stileid.u32  }
0x5: {  	s9 =	simm.s32 $0x400;
	s10 =	simm.s32 $0x1;
	s11 =	simm.s32 $0x2000  }
0x6: {  	s12 =	simm.s32 $0x0;
	s3 =	sand.u32 $0x1, s3;
	s5 =	sshll.u32 s1, $0x6  }
0x7: {  	s8 =	sshll.u32 s1, $0xC;
	s7 =	sshll.u32 s3, $0x5;
	s5 =	sand.u32 $0x40, s5  }
0x8: {  	s3 =	ssub.s32 $0x2, s3;
	s8 =	sand.u32 $0xE000, s8;
	s5 =	sor.u32 s7, s5  }
0x9: {  	[smem:$0x7FF] =	sst s2;
	s31 =	sshrl.u32 s3, $0x1;
	s5 =	sor.u32 s8, s5  }
0xa: {  	_ =	strace $0x80000047;
	s7 =	ssub.s32 s3, s31;
	s3 =	sadd.s32 s4, s5  }
0xb: {  	s8 =	sor.u32 $0x10, s5;
	s5 =	sadd.s32 s6, s5;
	s7 =	smax.u32 s7, $0x1  }
0xc: {  	v0 =	vimm.f32 $0.0e+00;
	s4 =	sadd.s32 s4, s8;
	s6 =	sadd.s32 s6, s8;
	s8 =	simm.s32 $0x80  }
.LBB2_1:
0xd: {  	[tilespmem:s2], [sflag:$0x1] =	stream.strided.gather [hbm4b:s3+s8], $0x2000, s9, s8, $0x38;
	[tilespmem:$0x6000] =	vst v63  }
0xe: {  	_ =	swait.ge [sflag:s10], $0x2000  }
0xf: {  	[sflag:s10] =	ssyncset.done $0x0  }
0x10: {  	[sflag:s10] =	ssyncadd.s32 $0xFFFFE000  }
0x11: {  	[tilespmem:s11], [sflag:$0x1] =	stream.strided.gather [hbm4b:s4+s8], $0x2000, s9, s8, $0x38;
	[tilespmem:$0x6000] =	vst v63  }
0x12: {  	_ =	swait.ge [sflag:s10], $0x2000  }
0x13: {  	[sflag:s10] =	ssyncset.done $0x0  }
0x14: {  	[sflag:s10] =	ssyncadd.s32 $0xFFFFE000  }
0x15: {  	s14 =	simm.s32 $0x10;
	v1 =	vld [tilespmem:$0x0]  }
0x16: {  	s13 =	simm.s32 $0x80;
	v2 =	vld [tilespmem:s14+$0x0]  }
.LBB2_2:
0x17: {  	p0 =	sne.s32 s13, $0x7FC0  }
.Ltmp0:
0x18: {  	_ = 	snop;
	(pc) =	sbr.rel @p0 .LBB2_2-.Ltmp0, $3  }
0x19: {  	_ =	sdelay $0x1  }
0x1a: {  	s14 =	sshra.s32 s13, $0x2;
	s13 =	sadd.s32 $0x40, s13;
	v1 =	vmax.f32 v1, v2  }
0x1b: {  	v2 =	vld [tilespmem:s14+$0x0]  }
0x1c: {  	_ =	sdelay $0x3  }
0x1d: {  	v1 =	vmax.f32 v1, v2  }
0x1e: {  	(xrf0) =	vmax.scan.msk.f32 $0xffff, v1;
	_ =	sdelay $0x5  }
0x1f: {  	v1, _, _ =	vpop (xrf0)  }
0x20: {  	(v2sf) =	vpush v1, $0xF;
	_ =	sdelay $0xc  }
0x21: {  	s16 =	simm.s32 $0x0  }
0x22: {  	v2 =	vld [tilespmem:s16+$0x0]  }
0x23: {  	s14 =	spop (v2sf)  }
0x24: {  	s13 =	sadd.f32 $-1.000000000e+00, s14;
	_ =	sdelay $0x1  }
0x25: {  	v1 =	vmov s13  }
0x26: {  	vm0 =	vgt.f32 v2, v1  }
0x27: {  	v3 =	vsel vm0, $0x3F800000, v0  }
0x28: {  	(xrf0) =	vmax.scan.msk.f32 $0xffff, v3;
	_ =	sdelay $0x5  }
0x29: {  	v3, _, _ =	vpop (xrf0)  }
0x2a: {  	(v2sf) =	vpush v3, $0xF;
	_ =	sdelay $0x2  }
0x2b: {  	s31 =	simm.s32 $0x0  }
0x2c: {  	s15 =	simm.s32 $0x0;
	s17 =	simm.s32 $0x10;
	s16 =	simm.s32 $0x80;
	[tilespmem:s31+$0x4000] =	vst v2  }
.LBB2_4:
0x2d: {  	p0 =	seq.s32 s16, $0x7FC0;
	v2 =	vld [tilespmem:s17+$0x0];
	_ =	sdelay $0x4  }
0x2e: {  	vm0 =	vgt.f32 v2, v1  }
0x2f: {  	v3 =	vsel vm0, $0x3F800000, v0  }
0x30: {  	(xrf0) =	vmax.scan.msk.f32 $0xffff, v3;
	_ =	sdelay $0x2  }
0x31: {  	s17 =	spop (v2sf)  }
0x32: {  	p1 =	sgt.f32 s17, $0.0e+00  }
0x33: {  	s17 =	simm.s32 $0x1  }
0x34: {  	v3, _, _ =	vpop (xrf0);
	s17 =	simm.s32 @!p1 $0x0  }
.Ltmp1:
0x35: {  	(v2sf) =	vpush v3, $0xF;
	s15 =	sadd.s32 s17, s15;
	(pc) =	sbr.rel @!p0 .LBB2_4-.Ltmp1, $4  }
0x36: {  	s17 =	sshll.u32 s15, $0x6  }
0x37: {  	s17 =	sshra.s32 s17, $0x2  }
0x38: {  	[tilespmem:s17+$0x4000] =	vst v2  }
0x39: {  	s17 =	sshra.s32 s16, $0x2;
	s16 =	sadd.s32 $0x40, s16  }
0x3a: {  	v2 =	vld [tilespmem:s17+$0x0];
	_ =	sdelay $0x4  }
0x3b: {  	vm0 =	vgt.f32 v2, v1  }
0x3c: {  	v1 =	vsel vm0, $0x3F800000, v0  }
0x3d: {  	(xrf0) =	vmax.scan.msk.f32 $0xffff, v1;
	_ =	sdelay $0x5  }
0x3e: {  	v1, _, _ =	vpop (xrf0)  }
0x3f: {  	(v2sf) =	vpush v1, $0xF;
	_ =	sdelay $0xc  }
0x40: {  	s16 =	spop (v2sf)  }
0x41: {  	p0 =	sgt.f32 s16, $0.0e+00  }
0x42: {  	s16 =	simm.s32 $0x1;
	s31 =	spop (v2sf)  }
.Ltmp2:
0x43: {  	s16 =	simm.s32 @!p0 $0x0;
	p0 =	sgt.f32 s31, $0.0e+00;
	(pc) =	sbr.rel .LBB2_6-.Ltmp2, $4  }
0x44: {  	s17 =	simm.s32 $0x1;
	s15 =	sadd.s32 s16, s15  }
0x45: {  	s16 =	sshll.u32 s15, $0x6;
	s17 =	simm.s32 @!p0 $0x0  }
0x46: {  	s16 =	sshra.s32 s16, $0x2;
	s15 =	sadd.s32 s17, s15  }
0x47: {  	[tilespmem:s16+$0x4000] =	vst v2;
	s16 =	simm.s32 $0x0;
	p0 =	slt.s32 s15, $0x1  }
.LBB2_7:
0x48: {  	v1 =	vimm.f32 $0.0e+00  }
.LBB2_11:
0x49: {  	(xrf2) =	vadd.scan.msk.f32 $0xffff, v1;
	_ =	sdelay $0x9  }
0x4a: {  	v1, _, _ =	vpop (xrf2)  }
0x4b: {  	(v2sf) =	vpush v1, $0xF;
	_ =	sdelay $0xe  }
0x4c: {  	s18 =	spop (v2sf)  }
0x4d: {  	p1 =	sgt.f32 s18, $1.000000000e+00  }
0x4e: {  	s16 =	sadd.s32 $0x1, s16  }
0x4f: {  	s13 =	smov.u32 @p1 s17;
	s17 =	smov.u32 @p1 s14;
	p1 =	sne.s32 s16, $0x1E  }
.Ltmp3:
0x50: {  	_ = 	snop;
	(pc) =	sbr.rel @!p1 .LBB2_12-.Ltmp3, $2  }
0x51: {  	_ =	sdelay $0x2  }
0x52: {  	s14 =	smov.u32 s17  }
.LBB2_6:
.Ltmp4:
0x53: {  	(pc) =	sbr.rel @p0 .LBB2_7-.Ltmp4, $3  }
0x54: {  	_ = 	snop  }
0x55: {  	s17 =	sadd.f32 s14, s13;
	_ =	sdelay $0x1  }
0x56: {  	s17 =	smul.f32 $5.000000000e-01, s17  }
0x57: {  	s18 =	simm.s32 $0x4000  }
0x58: {  	p1 =	sne.s32 s15, $0x1;
	v3 =	vld [tilespmem:s18+$0x0]  }
.Ltmp5:
0x59: {  	_ = 	snop;
	(pc) =	sbr.rel @!p1 .LBB2_10-.Ltmp5, $3  }
0x5a: {  	_ =	sdelay $0x1  }
0x5b: {  	v2 =	vmov s17  }
0x5c: {  	v1 =	vimm.f32 $0.0e+00;
	s19 =	simm.s32 $0x4010;
	s18 =	sadd.s32 $0xFFFFFFFF, s15;
	v3 =	vsub.f32 v3, v2  }
.LBB2_9:
0x5d: {  	v4 =	vld [tilespmem:s19+$0x0];
	p1 =	sne.s32 s18, $0x1;
	s18 =	sadd.s32 $0xFFFFFFFF, s18  }
.Ltmp6:
0x5e: {  	v3 =	vmax.f32 v3, $0.0e+00;
	(pc) =	sbr.rel @p1 .LBB2_9-.Ltmp6, $2  }
0x5f: {  	v1 =	vadd.f32 v3, v1;
	_ =	sdelay $0x2  }
0x60: {  	s19 =	sadd.s32 $0x10, s19;
	v3 =	vsub.f32 v4, v2  }
.LBB2_10:
.Ltmp7:
0x61: {  	(pc) =	sbr.rel .LBB2_11-.Ltmp7, $3  }
0x62: {  	_ = 	snop  }
0x63: {  	v2 =	vmax.f32 v3, $0.0e+00  }
0x64: {  	v1 =	vadd.f32 v2, v1;
	_ =	sdelay $0x1  }
.LBB2_12:
0x65: {  	s13 =	sadd.f32 s17, s13;
	_ =	sdelay $0x1  }
0x66: {  	s13 =	smul.f32 $5.000000000e-01, s13;
	_ =	sdelay $0x1  }
0x67: {  	s14 =	simm.s32 $0x40;
	v1 =	vmov s13;
	s13 =	simm.s32 $0x0  }
.LBB2_13:
0x68: {  	p0 =	sne.s32 s14, $0x7FC0;
	v2 =	vld [tilespmem:s13+$0x0];
	_ =	sdelay $0x3  }
.Ltmp8:
0x69: {  	(pc) =	sbr.rel @p0 .LBB2_13-.Ltmp8, $3  }
0x6a: {  	v2 =	vsub.f32 v2, v1;
	_ =	sdelay $0x1  }
0x6b: {  	v2 =	vmax.f32 v2, $0.0e+00  }
0x6c: {  	[tilespmem:s13+$0x0] =	vst v2;
	s13 =	sshra.s32 s14, $0x2;
	s14 =	sadd.s32 $0x40, s14  }
0x6d: {  	v2 =	vld [tilespmem:s13+$0x0];
	_ =	sdelay $0x4  }
0x6e: {  	v1 =	vsub.f32 v2, v1;
	_ =	sdelay $0x1  }
0x6f: {  	v1 =	vmax.f32 v1, $0.0e+00  }
0x70: {  	s31 =	simm.s32 $0x10;
	[tilespmem:s13+$0x0] =	vst v1  }
0x71: {  	s14 =	sand.u32 $0x1FF0, s31;
	v1 =	vld [tilespmem:$0x2000]  }
0x72: {  	s13 =	simm.s32 $0x20;
	v2 =	vld [tilespmem:s14+$0x2000]  }
.LBB2_15:
0x73: {  	p0 =	sne.s32 s13, $0x1FF0  }
.Ltmp9:
0x74: {  	_ = 	snop;
	(pc) =	sbr.rel @p0 .LBB2_15-.Ltmp9, $3  }
0x75: {  	_ =	sdelay $0x1  }
0x76: {  	s14 =	sand.u32 $0x1FF0, s13;
	s13 =	sadd.s32 $0x10, s13;
	v1 =	vmax.f32 v1, v2  }
0x77: {  	v2 =	vld [tilespmem:s14+$0x2000]  }
0x78: {  	_ =	sdelay $0x3  }
0x79: {  	v1 =	vmax.f32 v1, v2  }
0x7a: {  	(xrf0) =	vmax.scan.msk.f32 $0xffff, v1;
	_ =	sdelay $0x5  }
0x7b: {  	v1, _, _ =	vpop (xrf0)  }
0x7c: {  	(v2sf) =	vpush v1, $0xF;
	_ =	sdelay $0xb  }
0x7d: {  	s15 =	simm.s32 $0x0  }
0x7e: {  	s16 =	sand.u32 $0x1FF0, s15  }
0x7f: {  	v2 =	vld [tilespmem:s16+$0x2000]  }
0x80: {  	s14 =	spop (v2sf)  }
0x81: {  	s13 =	sadd.f32 $-1.000000000e+00, s14;
	_ =	sdelay $0x1  }
0x82: {  	v1 =	vmov s13  }
0x83: {  	vm0 =	vgt.f32 v2, v1  }
0x84: {  	v3 =	vsel vm0, $0x3F800000, v0  }
0x85: {  	(xrf0) =	vmax.scan.msk.f32 $0xffff, v3;
	_ =	sdelay $0x5  }
0x86: {  	v3, _, _ =	vpop (xrf0)  }
0x87: {  	(v2sf) =	vpush v3, $0xF;
	_ =	sdelay $0x2  }
0x88: {  	s31 =	simm.s32 $0x10;
	s17 =	simm.s32 $0x0  }
0x89: {  	s16 =	simm.s32 $0x20;
	[tilespmem:s17+$0x4000] =	vst v2;
	s17 =	sand.u32 $0x1FF0, s31  }
.LBB2_17:
0x8a: {  	p0 =	seq.s32 s16, $0x1FF0;
	v2 =	vld [tilespmem:s17+$0x2000];
	_ =	sdelay $0x4  }
0x8b: {  	vm0 =	vgt.f32 v2, v1  }
0x8c: {  	v3 =	vsel vm0, $0x3F800000, v0  }
0x8d: {  	(xrf0) =	vmax.scan.msk.f32 $0xffff, v3;
	_ =	sdelay $0x2  }
0x8e: {  	s17 =	spop (v2sf)  }
0x8f: {  	p1 =	sgt.f32 s17, $0.0e+00  }
0x90: {  	s17 =	simm.s32 $0x1  }
0x91: {  	v3, _, _ =	vpop (xrf0);
	s17 =	simm.s32 @!p1 $0x0  }
.Ltmp10:
0x92: {  	(v2sf) =	vpush v3, $0xF;
	s15 =	sadd.s32 s17, s15;
	(pc) =	sbr.rel @!p0 .LBB2_17-.Ltmp10, $4  }
0x93: {  	s17 =	sshll.u32 s15, $0x6  }
0x94: {  	s17 =	sshra.s32 s17, $0x2  }
0x95: {  	[tilespmem:s17+$0x4000] =	vst v2  }
0x96: {  	s17 =	sand.u32 $0x1FF0, s16;
	s16 =	sadd.s32 $0x10, s16  }
0x97: {  	v2 =	vld [tilespmem:s17+$0x2000];
	_ =	sdelay $0x4  }
0x98: {  	vm0 =	vgt.f32 v2, v1  }
0x99: {  	v1 =	vsel vm0, $0x3F800000, v0  }
0x9a: {  	(xrf0) =	vmax.scan.msk.f32 $0xffff, v1;
	_ =	sdelay $0x5  }
0x9b: {  	v1, _, _ =	vpop (xrf0)  }
0x9c: {  	(v2sf) =	vpush v1, $0xF;
	_ =	sdelay $0xc  }
0x9d: {  	s16 =	spop (v2sf)  }
0x9e: {  	p0 =	sgt.f32 s16, $0.0e+00  }
0x9f: {  	s16 =	simm.s32 $0x1;
	s31 =	spop (v2sf)  }
.Ltmp11:
0xa0: {  	s16 =	simm.s32 @!p0 $0x0;
	p0 =	sgt.f32 s31, $0.0e+00;
	(pc) =	sbr.rel .LBB2_19-.Ltmp11, $4  }
0xa1: {  	s17 =	simm.s32 $0x1;
	s15 =	sadd.s32 s16, s15  }
0xa2: {  	s16 =	sshll.u32 s15, $0x6;
	s17 =	simm.s32 @!p0 $0x0  }
0xa3: {  	s16 =	sshra.s32 s16, $0x2;
	s15 =	sadd.s32 s17, s15  }
0xa4: {  	[tilespmem:s16+$0x4000] =	vst v2;
	s16 =	simm.s32 $0x0;
	p0 =	slt.s32 s15, $0x1  }
.LBB2_20:
0xa5: {  	v1 =	vimm.f32 $0.0e+00  }
.LBB2_24:
0xa6: {  	(xrf2) =	vadd.scan.msk.f32 $0xffff, v1;
	_ =	sdelay $0x9  }
0xa7: {  	v1, _, _ =	vpop (xrf2)  }
0xa8: {  	(v2sf) =	vpush v1, $0xF;
	_ =	sdelay $0xe  }
0xa9: {  	s18 =	spop (v2sf)  }
0xaa: {  	p1 =	sgt.f32 s18, $1.000000000e+00  }
0xab: {  	s16 =	sadd.s32 $0x1, s16  }
0xac: {  	s13 =	smov.u32 @p1 s17;
	s17 =	smov.u32 @p1 s14;
	p1 =	sne.s32 s16, $0x1E  }
.Ltmp12:
0xad: {  	_ = 	snop;
	(pc) =	sbr.rel @!p1 .LBB2_25-.Ltmp12, $2  }
0xae: {  	_ =	sdelay $0x2  }
0xaf: {  	s14 =	smov.u32 s17  }
.LBB2_19:
.Ltmp13:
0xb0: {  	(pc) =	sbr.rel @p0 .LBB2_20-.Ltmp13, $3  }
0xb1: {  	_ = 	snop  }
0xb2: {  	s17 =	sadd.f32 s14, s13;
	_ =	sdelay $0x1  }
0xb3: {  	s17 =	smul.f32 $5.000000000e-01, s17  }
0xb4: {  	s18 =	simm.s32 $0x4000  }
0xb5: {  	p1 =	sne.s32 s15, $0x1;
	v3 =	vld [tilespmem:s18+$0x0]  }
.Ltmp14:
0xb6: {  	_ = 	snop;
	(pc) =	sbr.rel @!p1 .LBB2_23-.Ltmp14, $3  }
0xb7: {  	_ =	sdelay $0x1  }
0xb8: {  	v2 =	vmov s17  }
0xb9: {  	v1 =	vimm.f32 $0.0e+00;
	s19 =	simm.s32 $0x4010;
	s18 =	sadd.s32 $0xFFFFFFFF, s15;
	v3 =	vsub.f32 v3, v2  }
.LBB2_22:
0xba: {  	v4 =	vld [tilespmem:s19+$0x0];
	p1 =	sne.s32 s18, $0x1;
	s18 =	sadd.s32 $0xFFFFFFFF, s18  }
.Ltmp15:
0xbb: {  	v3 =	vmax.f32 v3, $0.0e+00;
	(pc) =	sbr.rel @p1 .LBB2_22-.Ltmp15, $2  }
0xbc: {  	v1 =	vadd.f32 v3, v1;
	_ =	sdelay $0x2  }
0xbd: {  	s19 =	sadd.s32 $0x10, s19;
	v3 =	vsub.f32 v4, v2  }
.LBB2_23:
.Ltmp16:
0xbe: {  	(pc) =	sbr.rel .LBB2_24-.Ltmp16, $3  }
0xbf: {  	_ = 	snop  }
0xc0: {  	v2 =	vmax.f32 v3, $0.0e+00  }
0xc1: {  	v1 =	vadd.f32 v2, v1;
	_ =	sdelay $0x1  }
.LBB2_25:
0xc2: {  	s13 =	sadd.f32 s17, s13;
	_ =	sdelay $0x1  }
0xc3: {  	s13 =	smul.f32 $5.000000000e-01, s13  }
0xc4: {  	s14 =	simm.s32 $0x0  }
0xc5: {  	v1 =	vmov s13;
	s13 =	sand.u32 $0x1FF0, s14;
	s14 =	simm.s32 $0x10  }
.LBB2_26:
0xc6: {  	p0 =	sne.s32 s14, $0x1FF0;
	v2 =	vld [tilespmem:s13+$0x2000];
	_ =	sdelay $0x3  }
.Ltmp17:
0xc7: {  	(pc) =	sbr.rel @p0 .LBB2_26-.Ltmp17, $3  }
0xc8: {  	v2 =	vsub.f32 v2, v1;
	_ =	sdelay $0x1  }
0xc9: {  	v2 =	vmax.f32 v2, $0.0e+00  }
0xca: {  	[tilespmem:s13+$0x2000] =	vst v2;
	s13 =	sand.u32 $0x1FF0, s14;
	s14 =	sadd.s32 $0x10, s14  }
0xcb: {  	v2 =	vld [tilespmem:s13+$0x2000];
	_ =	sdelay $0x4  }
0xcc: {  	v1 =	vsub.f32 v2, v1;
	_ =	sdelay $0x1  }
0xcd: {  	v1 =	vmax.f32 v1, $0.0e+00  }
0xce: {  	[tilespmem:s13+$0x2000] =	vst v1  }
0xcf: {  	[hbm4b:s5+s8] =	stream.strided.scatter [tilespmem:s2], [sflag:$0x1], $0x2000, s9, s8, $0x38;
	[tilespmem:$0x6000] =	vst v63  }
0xd0: {  	s12 =	sadd.s32 $0x1, s12;
	_ =	swait.ge [sflag:s10], $0x2000  }
0xd1: {  	p0 =	sne.s32 s12, s7;
	[sflag:s10] =	ssyncset.done $0x0  }
.Ltmp18:
0xd2: {  	[sflag:s10] =	ssyncadd.s32 $0xFFFFE000;
	(pc) =	sbr.rel @p0 .LBB2_1-.Ltmp18, $4  }
0xd3: {  	[hbm4b:s6+s8] =	stream.strided.scatter [tilespmem:s11], [sflag:$0x1], $0x2000, s9, s8, $0x38;
	[tilespmem:$0x6000] =	vst v63  }
0xd4: {  	_ =	swait.ge [sflag:s10], $0x2000  }
0xd5: {  	[sflag:s10] =	ssyncset.done $0x0  }
0xd6: {  	[sflag:s10] =	ssyncadd.s32 $0xFFFFE000  }
0xd7: {  	_ =	sfence.sel $0x180000  }
0xd8: {  	[bflag:$0x0] =	sbarrier.arrive $0xFFFF  }
0xd9: {  	p0 =	sne.s32 s1, $0x0;
	_ =	strace $0x90000047  }
0xda: {  	s0 =	sadd.s32 @!p0 $0x100000, s0;
	[bflag:$0x2] =	sbarrier.arrive $0xFFFF  }
0xdb: {  	[sflag:s0] =	ssyncadd.tile.s32 @!p0 $0x1;
	_ =	shalt  }
.Lfunc_end2:
_tile_overlayer_lowered:
.L_overlay_start_2:
0xdc: {  	(tag) =	ssettag $0x2  }
0xdd: {  	s0 =	rddreg [dreg:$0x0];
	s2 =	stileid.u32  }
0xde: {  	s1 =	rddreg [dreg:$0x1];
	p0 =	sne.s32 s2, $0x0  }
0xdf: {  	s3 =	rddreg [dreg:$0x2];
	[bflag:$0x3] =	sbarrier.arrive $0xFFFF;
	s2 =	simm.s32 @!p0 $0x1C01  }
0xe0: {  	[timem:s3], [sflag:s2] =	dma.local @!p0 [hbm:s0], s1  }
0xe1: {  	s0 =	simm.s32 @!p0 $0x1  }
0xe2: {  	_ =	swait.ge @!p0 [sflag:s0], s1  }
0xe3: {  	s1 =	ssub.s32 @!p0 $0x0, s1;
	[sflag:s0] =	ssyncset.done @!p0 $0x0  }
0xe4: {  	[sflag:s0] =	ssyncadd.s32 @!p0 s1  }
0xe5: {  	[bflag:$0x3] =	sbarrier.arrive $0xFFFF  }
0xe6: {  	_ =	shalt  }

</sc_bundles>
